<compile_context>
chip_gen: v7x
topology: tpu7x:2x2x1
jax: 0.10.2.dev20260603
libtpu: 0.0.44.dev20260713+nightly
codegen_flags: <defaults>
</compile_context>

<pallas_src>
import functools

import jax
import jax.numpy as jnp
import numpy as np
from jax import lax
from jax.experimental import pallas as pl
from jax.experimental.pallas import tpu as pltpu
from jax.experimental.pallas import tpu_sc as plsc

_TOPK = 12
_LANES = 16


def _scores_body(x_ref, wkq_ref, a_ref, *, group, n, d):
    xall = x_ref[...].reshape(group * n, x_ref.shape[2])
    kqt = lax.dot_general(wkq_ref[...], xall, (((0,), (1,)), ((), ())),
                          preferred_element_type=jnp.float32)
    for g in range(group):
        xkt = kqt[:d, g * n:(g + 1) * n]
        xqt = kqt[d:, g * n:(g + 1) * n]
        s = lax.dot_general(xkt, xqt, (((0,), (0,)), ((), ())),
                            preferred_element_type=jnp.float32)
        m = jnp.max(s, axis=-1, keepdims=True)
        e = jnp.exp(s - m)
        p = e / jnp.sum(e, axis=-1, keepdims=True)
        a_ref[g, :] = jnp.sum(p, axis=0)


def _topk_body(rows_per_worker, n, a_hbm, out_hbm, row_a, row_b, out_v,
               sem_a, sem_b):
    wid = lax.axis_index("s") * 2 + lax.axis_index("c")
    base = wid * rows_per_worker
    nchunk = n // _LANES
    iota = lax.iota(jnp.int32, _LANES)
    neg = jnp.float32(-jnp.inf)
    bufs = [row_a, row_b]
    sems = [sem_a, sem_b]

    copies = [None, None]
    copies[0] = pltpu.make_async_copy(a_hbm.at[base], row_a, sem_a)
    copies[0].start()
    for r in range(rows_per_worker):
        if r + 1 < rows_per_worker:
            copies[(r + 1) % 2] = pltpu.make_async_copy(
                a_hbm.at[base + r + 1], bufs[(r + 1) % 2], sems[(r + 1) % 2])
            copies[(r + 1) % 2].start()
        copies[r % 2].wait()
        row_v = bufs[r % 2]

        def chunk_merge(c, kv, row_v=row_v):
            keys, vals = kv
            v = row_v[pl.ds(c * _LANES, _LANES)]
            gidx = c * _LANES + iota
            vs, vi = plsc.sort_key_val(v, gidx, descending=False)
            take = keys >= vs
            mk = jnp.where(take, keys, vs)
            mv = jnp.where(take, vals, vi)
            ks, vs2 = plsc.sort_key_val(mk, mv, descending=True)
            return (ks, vs2)

        keys, vals = lax.fori_loop(
            0, nchunk, chunk_merge,
            (jnp.full((_LANES,), neg, jnp.float32),
             jnp.zeros((_LANES,), jnp.int32)))
        out_v[pl.ds(r * _TOPK, _LANES)] = vals

    npack = rows_per_worker * _TOPK
    pltpu.sync_copy(out_v.at[pl.ds(0, npack)],
                    out_hbm.at[pl.ds(wid * npack, npack)])


def kernel(x, flat):
    N, T, n, d_in = x.shape
    d = flat.shape[0] // (2 * d_in)
    B = N * T
    wk = flat[: d_in * d].reshape(d_in, d)
    wq = flat[d_in * d:].reshape(d_in, d)
    xf = x.reshape(B, n, d_in)
    scale = np.float32(1.0 / np.sqrt(np.float32(d_in)))

    group = 8
    wkq = jnp.concatenate([wk, wq * scale], axis=1)
    a = pl.pallas_call(
        functools.partial(_scores_body, group=group, n=n, d=d),
        grid=(B // group,),
        in_specs=[
            pl.BlockSpec((group, n, d_in), lambda b: (b, 0, 0)),
            pl.BlockSpec((d_in, 2 * d), lambda b: (0, 0)),
        ],
        out_specs=pl.BlockSpec((group, n), lambda b: (b, 0)),
        out_shape=jax.ShapeDtypeStruct((B, n), jnp.float32),
    )(xf, wkq)

    info = plsc.get_sparse_core_info()
    nworkers = info.num_cores * info.num_subcores
    rows_per_worker = B // nworkers
    mesh = plsc.VectorSubcoreMesh(core_axis_name="c", subcore_axis_name="s")

    topk = pl.kernel(
        functools.partial(_topk_body, rows_per_worker, n),
        out_type=jax.ShapeDtypeStruct((B * _TOPK,), jnp.int32),
        mesh=mesh,
        compiler_params=pltpu.CompilerParams(needs_layout_passes=False),
        scratch_types=[
            pltpu.VMEM((n,), jnp.float32),
            pltpu.VMEM((n,), jnp.float32),
            pltpu.VMEM((rows_per_worker * _TOPK + _LANES,), jnp.int32),
            pltpu.SemaphoreType.DMA,
            pltpu.SemaphoreType.DMA,
        ],
    )(a)

    return topk.reshape(N, T, _TOPK, 1)

# --- scband reference (transcript-rebuilt; emitter-appended) ---
"""Pipeline reference for scband-sparse-attention-8478265442446 (READ-ONLY COPY).

The authoritative reference and input builder live on the scoring server;
editing this copy changes nothing except your own understanding.
"""

import jax, jax.numpy as jnp
import numpy as np

D_IN = 256
D = 4
TOPK = 12


def setup_inputs(seed: int = 0) -> dict:
    key = jax.random.key(seed)
    k1, k2 = jax.random.split(key)
    x = jax.random.normal(k1, (8, 16, 512, D_IN), dtype=jnp.float32)
    flat = jax.random.normal(k2, (2 * D_IN * D,), dtype=jnp.float32)
    return {"x": x, "flat": flat}


def reference(x, flat):
    d_in, d = D_IN, D
    wk = flat[: d_in * d].reshape(d_in, d)
    wq = flat[d_in * d :].reshape(d_in, d)
    N, T, n, _ = x.shape
    xf = x.reshape(-1, n, d_in)
    scale = np.float32(1.0 / np.sqrt(np.float32(d_in)))
    xk = jnp.matmul(xf, wk)          # (N*T, n, d)
    xq = jnp.matmul(xf, wq)          # (N*T, n, d)
    h = jnp.einsum('bnd,bmd->bnm', xk, xq)  # bmm(xk, xq^T)
    A = jax.nn.softmax(scale * h, axis=-1).sum(axis=-2)  # (N*T, n)
    idxs = jnp.argsort(-A, axis=-1)[:, :TOPK]             # descending top-k indices
    return idxs.reshape(N, T, TOPK, 1)

if __name__ == "__main__":
    import jax
    _d = setup_inputs()
    print(jax.jit(kernel)(*tuple(_d.values())))

</pallas_src>

<mosaic_0001>
#map = affine_map<(d0, d1) -> (0, 0)>
#map1 = affine_map<(d0, d1) -> (0)>
module attributes {stable_mosaic.version = 14 : i64} {
  func.func @_topk_body(%arg0: i32, %arg1: i32, %arg2: memref<128x512xf32, #tpu.memory_space<hbm>>, %arg3: memref<1536xi32, #tpu.memory_space<hbm>>, %arg4: memref<512xf32, #tpu.memory_space<vmem>>, %arg5: memref<512xf32, #tpu.memory_space<vmem>>, %arg6: memref<64xi32, #tpu.memory_space<vmem>>, %arg7: memref<!tpu.dma_semaphore, #tpu.memory_space<semaphore_mem>>, %arg8: memref<!tpu.dma_semaphore, #tpu.memory_space<semaphore_mem>>) attributes {dimension_semantics = [#tpu.dimension_semantics<core_parallel>, #tpu.dimension_semantics<subcore_parallel>], iteration_bounds = array<i64: 2, 16>, scalar_prefetch = 0 : i64, scratch_operands = 5 : i64, tpu.core_type = #tpu.core_type<sc_vector_subcore>, window_params = [{transform_indices = #map}, {transform_indices = #map1}]} {
    %mul3A = arith.constant 2 : i32
    %mul3A_0 = arith.muli %arg1, %mul3A : i32
    %add3A = arith.addi %mul3A_0, %arg0 : i32
    %mul3A_1 = arith.constant 4 : i32
    %mul3A_2 = arith.muli %add3A, %mul3A_1 : i32
    %iota3A = tpu.iota {dimensions = array<i32: 0>} : vector<16xi32>
    %dma_start3A = arith.constant 0 : i32
    %dma_start3A_3 = tpu.memref_slice %arg2[%mul3A_2, %dma_start3A] : memref<128x512xf32, #tpu.memory_space<hbm>> -> memref<1x512xf32, #tpu.memory_space<hbm>>
    %dma_start3A_4 = tpu.memref_squeeze %dma_start3A_3 : memref<1x512xf32, #tpu.memory_space<hbm>> -> memref<512xf32, #tpu.memory_space<hbm>>
    %dma_start3A_5 = arith.constant 0 : i32
    %dma_start3A_6 = tpu.memref_slice %arg2[%mul3A_2, %dma_start3A_5] : memref<128x512xf32, #tpu.memory_space<hbm>> -> memref<1x512xf32, #tpu.memory_space<hbm>>
    %dma_start3A_7 = tpu.memref_squeeze %dma_start3A_6 : memref<1x512xf32, #tpu.memory_space<hbm>> -> memref<512xf32, #tpu.memory_space<hbm>>
    tpu.enqueue_dma source(%dma_start3A_7 : memref<512xf32, #tpu.memory_space<hbm>>) target(%arg4 : memref<512xf32, #tpu.memory_space<vmem>>) target_semaphore(%arg7 : memref<!tpu.dma_semaphore, #tpu.memory_space<semaphore_mem>>)
    %add3A_8 = arith.constant 0 : i32
    %add3A_9 = arith.addi %mul3A_2, %add3A_8 : i32
    %add3A_10 = arith.constant 1 : i32
    %add3A_11 = arith.addi %add3A_9, %add3A_10 : i32
    %dma_start3A_12 = arith.constant 0 : i32
    %dma_start3A_13 = tpu.memref_slice %arg2[%add3A_11, %dma_start3A_12] : memref<128x512xf32, #tpu.memory_space<hbm>> -> memref<1x512xf32, #tpu.memory_space<hbm>>
    %dma_start3A_14 = tpu.memref_squeeze %dma_start3A_13 : memref<1x512xf32, #tpu.memory_space<hbm>> -> memref<512xf32, #tpu.memory_space<hbm>>
    %dma_start3A_15 = arith.constant 0 : i32
    %dma_start3A_16 = tpu.memref_slice %arg2[%add3A_11, %dma_start3A_15] : memref<128x512xf32, #tpu.memory_space<hbm>> -> memref<1x512xf32, #tpu.memory_space<hbm>>
    %dma_start3A_17 = tpu.memref_squeeze %dma_start3A_16 : memref<1x512xf32, #tpu.memory_space<hbm>> -> memref<512xf32, #tpu.memory_space<hbm>>
    tpu.enqueue_dma source(%dma_start3A_17 : memref<512xf32, #tpu.memory_space<hbm>>) target(%arg5 : memref<512xf32, #tpu.memory_space<vmem>>) target_semaphore(%arg8 : memref<!tpu.dma_semaphore, #tpu.memory_space<semaphore_mem>>)
    %dma_wait3A = arith.constant 0 : i32
    %dma_wait3A_18 = tpu.memref_slice %arg2[%mul3A_2, %dma_wait3A] : memref<128x512xf32, #tpu.memory_space<hbm>> -> memref<1x512xf32, #tpu.memory_space<hbm>>
    %dma_wait3A_19 = tpu.memref_squeeze %dma_wait3A_18 : memref<1x512xf32, #tpu.memory_space<hbm>> -> memref<512xf32, #tpu.memory_space<hbm>>
    %dma_wait3A_20 = arith.constant 0 : i32
    %dma_wait3A_21 = tpu.memref_slice %arg2[%mul3A_2, %dma_wait3A_20] : memref<128x512xf32, #tpu.memory_space<hbm>> -> memref<1x512xf32, #tpu.memory_space<hbm>>
    %dma_wait3A_22 = tpu.memref_squeeze %dma_wait3A_21 : memref<1x512xf32, #tpu.memory_space<hbm>> -> memref<512xf32, #tpu.memory_space<hbm>>
    tpu.wait_dma2 semaphore(%arg7 : memref<!tpu.dma_semaphore, #tpu.memory_space<semaphore_mem>>) src(%dma_wait3A_22 : memref<512xf32, #tpu.memory_space<hbm>>) dst(%arg4 : memref<512xf32, #tpu.memory_space<vmem>>)
    %broadcast_in_dim3A = arith.constant 0xFF800000 : f32
    %broadcast_in_dim3A_23 = vector.broadcast %broadcast_in_dim3A : f32 to vector<16xf32>
    %broadcast_in_dim3A_24 = arith.constant 0 : i32
    %broadcast_in_dim3A_25 = vector.broadcast %broadcast_in_dim3A_24 : i32 to vector<16xi32>
    %scan3A = arith.constant 0 : i32
    %scan3A_26 = arith.constant 32 : i32
    %scan3A_27 = arith.addi %scan3A, %scan3A_26 : i32
    %scan3A_28 = arith.constant 1 : i32
    %scan3A_29:2 = scf.for %scan3A_108 = %scan3A to %scan3A_27 step %scan3A_28 iter_args(%scan3A_109 = %broadcast_in_dim3A_23, %scan3A_110 = %broadcast_in_dim3A_25) -> (vector<16xf32>, vector<16xi32>)  : i32 {
      %mul3A_111 = arith.constant 16 : i32
      %mul3A_112 = arith.muli %scan3A_108, %mul3A_111 : i32
      %get3A = arith.index_cast %mul3A_112 : i32 to index
      %get3A_113 = tpu.vector_load %arg4[%get3A] {strides = array<i32>} : memref<512xf32, #tpu.memory_space<vmem>>, vector<16xf32>,
      %mul3A_114 = arith.constant 16 : i32
      %mul3A_115 = arith.muli %scan3A_108, %mul3A_114 : i32
      %add3A_116 = vector.broadcast %mul3A_115 : i32 to vector<16xi32>
      %add3A_117 = arith.addi %add3A_116, %iota3A : vector<16xi32>
      %masked_sort3A = arith.constant dense<true> : vector<16xi1>
      %masked_sort3A_118, %masked_sort3A_119, %masked_sort3A_120 = tpu.sort %get3A_113, %add3A_117 masked %masked_sort3A : (vector<16xf32>, vector<16xi32>, vector<16xi1>) -> (vector<16xi1>, vector<16xf32>, vector<16xi32>)
      %ge3A = arith.cmpf oge, %scan3A_109, %masked_sort3A_119 : vector<16xf32>
      %select_n3A = arith.select %ge3A, %scan3A_109, %masked_sort3A_119 : vector<16xi1>, vector<16xf32>
      %select_n3A_121 = arith.select %ge3A, %scan3A_110, %masked_sort3A_120 : vector<16xi1>, vector<16xi32>
      %masked_sort3A_122 = arith.constant dense<true> : vector<16xi1>
      %masked_sort3A_123, %masked_sort3A_124, %masked_sort3A_125 = tpu.sort %select_n3A, %select_n3A_121 masked %masked_sort3A_122 {descending = true} : (vector<16xf32>, vector<16xi32>, vector<16xi1>) -> (vector<16xi1>, vector<16xf32>, vector<16xi32>)
      scf.yield %masked_sort3A_124, %masked_sort3A_125 : vector<16xf32>, vector<16xi32>
    }
    %scan3A_30 = arith.constant 32 : i32
    %swap3A = arith.constant 0 : index
    %swap3A_31 = tpu.vector_load %arg6[%swap3A] {strides = array<i32>} : memref<64xi32, #tpu.memory_space<vmem>>, vector<16xi32>,
    tpu.vector_store %arg6[%swap3A], %scan3A_29#1 {strides = array<i32>} : memref<64xi32, #tpu.memory_space<vmem>>, vector<16xi32>,
    %add3A_32 = arith.constant 1 : i32
    %add3A_33 = arith.addi %mul3A_2, %add3A_32 : i32
    %add3A_34 = arith.constant 1 : i32
    %add3A_35 = arith.addi %add3A_33, %add3A_34 : i32
    %dma_start3A_36 = arith.constant 0 : i32
    %dma_start3A_37 = tpu.memref_slice %arg2[%add3A_35, %dma_start3A_36] : memref<128x512xf32, #tpu.memory_space<hbm>> -> memref<1x512xf32, #tpu.memory_space<hbm>>
    %dma_start3A_38 = tpu.memref_squeeze %dma_start3A_37 : memref<1x512xf32, #tpu.memory_space<hbm>> -> memref<512xf32, #tpu.memory_space<hbm>>
    %dma_start3A_39 = arith.constant 0 : i32
    %dma_start3A_40 = tpu.memref_slice %arg2[%add3A_35, %dma_start3A_39] : memref<128x512xf32, #tpu.memory_space<hbm>> -> memref<1x512xf32, #tpu.memory_space<hbm>>
    %dma_start3A_41 = tpu.memref_squeeze %dma_start3A_40 : memref<1x512xf32, #tpu.memory_space<hbm>> -> memref<512xf32, #tpu.memory_space<hbm>>
    tpu.enqueue_dma source(%dma_start3A_41 : memref<512xf32, #tpu.memory_space<hbm>>) target(%arg4 : memref<512xf32, #tpu.memory_space<vmem>>) target_semaphore(%arg7 : memref<!tpu.dma_semaphore, #tpu.memory_space<semaphore_mem>>)
    %dma_wait3A_42 = arith.constant 0 : i32
    %dma_wait3A_43 = tpu.memref_slice %arg2[%add3A_11, %dma_wait3A_42] : memref<128x512xf32, #tpu.memory_space<hbm>> -> memref<1x512xf32, #tpu.memory_space<hbm>>
    %dma_wait3A_44 = tpu.memref_squeeze %dma_wait3A_43 : memref<1x512xf32, #tpu.memory_space<hbm>> -> memref<512xf32, #tpu.memory_space<hbm>>
    %dma_wait3A_45 = arith.constant 0 : i32
    %dma_wait3A_46 = tpu.memref_slice %arg2[%add3A_11, %dma_wait3A_45] : memref<128x512xf32, #tpu.memory_space<hbm>> -> memref<1x512xf32, #tpu.memory_space<hbm>>
    %dma_wait3A_47 = tpu.memref_squeeze %dma_wait3A_46 : memref<1x512xf32, #tpu.memory_space<hbm>> -> memref<512xf32, #tpu.memory_space<hbm>>
    tpu.wait_dma2 semaphore(%arg8 : memref<!tpu.dma_semaphore, #tpu.memory_space<semaphore_mem>>) src(%dma_wait3A_47 : memref<512xf32, #tpu.memory_space<hbm>>) dst(%arg5 : memref<512xf32, #tpu.memory_space<vmem>>)
    %broadcast_in_dim3A_48 = arith.constant 0xFF800000 : f32
    %broadcast_in_dim3A_49 = vector.broadcast %broadcast_in_dim3A_48 : f32 to vector<16xf32>
    %broadcast_in_dim3A_50 = arith.constant 0 : i32
    %broadcast_in_dim3A_51 = vector.broadcast %broadcast_in_dim3A_50 : i32 to vector<16xi32>
    %scan3A_52 = arith.constant 0 : i32
    %scan3A_53 = arith.constant 32 : i32
    %scan3A_54 = arith.addi %scan3A_52, %scan3A_53 : i32
    %scan3A_55 = arith.constant 1 : i32
    %scan3A_56:2 = scf.for %scan3A_108 = %scan3A_52 to %scan3A_54 step %scan3A_55 iter_args(%scan3A_109 = %broadcast_in_dim3A_49, %scan3A_110 = %broadcast_in_dim3A_51) -> (vector<16xf32>, vector<16xi32>)  : i32 {
      %mul3A_111 = arith.constant 16 : i32
      %mul3A_112 = arith.muli %scan3A_108, %mul3A_111 : i32
      %get3A = arith.index_cast %mul3A_112 : i32 to index
      %get3A_113 = tpu.vector_load %arg5[%get3A] {strides = array<i32>} : memref<512xf32, #tpu.memory_space<vmem>>, vector<16xf32>,
      %mul3A_114 = arith.constant 16 : i32
      %mul3A_115 = arith.muli %scan3A_108, %mul3A_114 : i32
      %add3A_116 = vector.broadcast %mul3A_115 : i32 to vector<16xi32>
      %add3A_117 = arith.addi %add3A_116, %iota3A : vector<16xi32>
      %masked_sort3A = arith.constant dense<true> : vector<16xi1>
      %masked_sort3A_118, %masked_sort3A_119, %masked_sort3A_120 = tpu.sort %get3A_113, %add3A_117 masked %masked_sort3A : (vector<16xf32>, vector<16xi32>, vector<16xi1>) -> (vector<16xi1>, vector<16xf32>, vector<16xi32>)
      %ge3A = arith.cmpf oge, %scan3A_109, %masked_sort3A_119 : vector<16xf32>
      %select_n3A = arith.select %ge3A, %scan3A_109, %masked_sort3A_119 : vector<16xi1>, vector<16xf32>
      %select_n3A_121 = arith.select %ge3A, %scan3A_110, %masked_sort3A_120 : vector<16xi1>, vector<16xi32>
      %masked_sort3A_122 = arith.constant dense<true> : vector<16xi1>
      %masked_sort3A_123, %masked_sort3A_124, %masked_sort3A_125 = tpu.sort %select_n3A, %select_n3A_121 masked %masked_sort3A_122 {descending = true} : (vector<16xf32>, vector<16xi32>, vector<16xi1>) -> (vector<16xi1>, vector<16xf32>, vector<16xi32>)
      scf.yield %masked_sort3A_124, %masked_sort3A_125 : vector<16xf32>, vector<16xi32>
    }
    %scan3A_57 = arith.constant 32 : i32
    %swap3A_58 = arith.constant 12 : index
    %swap3A_59 = tpu.vector_load %arg6[%swap3A_58] {strides = array<i32>} : memref<64xi32, #tpu.memory_space<vmem>>, vector<16xi32>,
    tpu.vector_store %arg6[%swap3A_58], %scan3A_56#1 {strides = array<i32>} : memref<64xi32, #tpu.memory_space<vmem>>, vector<16xi32>,
    %add3A_60 = arith.constant 2 : i32
    %add3A_61 = arith.addi %mul3A_2, %add3A_60 : i32
    %add3A_62 = arith.constant 1 : i32
    %add3A_63 = arith.addi %add3A_61, %add3A_62 : i32
    %dma_start3A_64 = arith.constant 0 : i32
    %dma_start3A_65 = tpu.memref_slice %arg2[%add3A_63, %dma_start3A_64] : memref<128x512xf32, #tpu.memory_space<hbm>> -> memref<1x512xf32, #tpu.memory_space<hbm>>
    %dma_start3A_66 = tpu.memref_squeeze %dma_start3A_65 : memref<1x512xf32, #tpu.memory_space<hbm>> -> memref<512xf32, #tpu.memory_space<hbm>>
    %dma_start3A_67 = arith.constant 0 : i32
    %dma_start3A_68 = tpu.memref_slice %arg2[%add3A_63, %dma_start3A_67] : memref<128x512xf32, #tpu.memory_space<hbm>> -> memref<1x512xf32, #tpu.memory_space<hbm>>
    %dma_start3A_69 = tpu.memref_squeeze %dma_start3A_68 : memref<1x512xf32, #tpu.memory_space<hbm>> -> memref<512xf32, #tpu.memory_space<hbm>>
    tpu.enqueue_dma source(%dma_start3A_69 : memref<512xf32, #tpu.memory_space<hbm>>) target(%arg5 : memref<512xf32, #tpu.memory_space<vmem>>) target_semaphore(%arg8 : memref<!tpu.dma_semaphore, #tpu.memory_space<semaphore_mem>>)
    %dma_wait3A_70 = arith.constant 0 : i32
    %dma_wait3A_71 = tpu.memref_slice %arg2[%add3A_35, %dma_wait3A_70] : memref<128x512xf32, #tpu.memory_space<hbm>> -> memref<1x512xf32, #tpu.memory_space<hbm>>
    %dma_wait3A_72 = tpu.memref_squeeze %dma_wait3A_71 : memref<1x512xf32, #tpu.memory_space<hbm>> -> memref<512xf32, #tpu.memory_space<hbm>>
    %dma_wait3A_73 = arith.constant 0 : i32
    %dma_wait3A_74 = tpu.memref_slice %arg2[%add3A_35, %dma_wait3A_73] : memref<128x512xf32, #tpu.memory_space<hbm>> -> memref<1x512xf32, #tpu.memory_space<hbm>>
    %dma_wait3A_75 = tpu.memref_squeeze %dma_wait3A_74 : memref<1x512xf32, #tpu.memory_space<hbm>> -> memref<512xf32, #tpu.memory_space<hbm>>
    tpu.wait_dma2 semaphore(%arg7 : memref<!tpu.dma_semaphore, #tpu.memory_space<semaphore_mem>>) src(%dma_wait3A_75 : memref<512xf32, #tpu.memory_space<hbm>>) dst(%arg4 : memref<512xf32, #tpu.memory_space<vmem>>)
    %broadcast_in_dim3A_76 = arith.constant 0xFF800000 : f32
    %broadcast_in_dim3A_77 = vector.broadcast %broadcast_in_dim3A_76 : f32 to vector<16xf32>
    %broadcast_in_dim3A_78 = arith.constant 0 : i32
    %broadcast_in_dim3A_79 = vector.broadcast %broadcast_in_dim3A_78 : i32 to vector<16xi32>
    %scan3A_80 = arith.constant 0 : i32
    %scan3A_81 = arith.constant 32 : i32
    %scan3A_82 = arith.addi %scan3A_80, %scan3A_81 : i32
    %scan3A_83 = arith.constant 1 : i32
    %scan3A_84:2 = scf.for %scan3A_108 = %scan3A_80 to %scan3A_82 step %scan3A_83 iter_args(%scan3A_109 = %broadcast_in_dim3A_77, %scan3A_110 = %broadcast_in_dim3A_79) -> (vector<16xf32>, vector<16xi32>)  : i32 {
      %mul3A_111 = arith.constant 16 : i32
      %mul3A_112 = arith.muli %scan3A_108, %mul3A_111 : i32
      %get3A = arith.index_cast %mul3A_112 : i32 to index
      %get3A_113 = tpu.vector_load %arg4[%get3A] {strides = array<i32>} : memref<512xf32, #tpu.memory_space<vmem>>, vector<16xf32>,
      %mul3A_114 = arith.constant 16 : i32
      %mul3A_115 = arith.muli %scan3A_108, %mul3A_114 : i32
      %add3A_116 = vector.broadcast %mul3A_115 : i32 to vector<16xi32>
      %add3A_117 = arith.addi %add3A_116, %iota3A : vector<16xi32>
      %masked_sort3A = arith.constant dense<true> : vector<16xi1>
      %masked_sort3A_118, %masked_sort3A_119, %masked_sort3A_120 = tpu.sort %get3A_113, %add3A_117 masked %masked_sort3A : (vector<16xf32>, vector<16xi32>, vector<16xi1>) -> (vector<16xi1>, vector<16xf32>, vector<16xi32>)
      %ge3A = arith.cmpf oge, %scan3A_109, %masked_sort3A_119 : vector<16xf32>
      %select_n3A = arith.select %ge3A, %scan3A_109, %masked_sort3A_119 : vector<16xi1>, vector<16xf32>
      %select_n3A_121 = arith.select %ge3A, %scan3A_110, %masked_sort3A_120 : vector<16xi1>, vector<16xi32>
      %masked_sort3A_122 = arith.constant dense<true> : vector<16xi1>
      %masked_sort3A_123, %masked_sort3A_124, %masked_sort3A_125 = tpu.sort %select_n3A, %select_n3A_121 masked %masked_sort3A_122 {descending = true} : (vector<16xf32>, vector<16xi32>, vector<16xi1>) -> (vector<16xi1>, vector<16xf32>, vector<16xi32>)
      scf.yield %masked_sort3A_124, %masked_sort3A_125 : vector<16xf32>, vector<16xi32>
    }
    %scan3A_85 = arith.constant 32 : i32
    %swap3A_86 = arith.constant 24 : index
    %swap3A_87 = tpu.vector_load %arg6[%swap3A_86] {strides = array<i32>} : memref<64xi32, #tpu.memory_space<vmem>>, vector<16xi32>,
    tpu.vector_store %arg6[%swap3A_86], %scan3A_84#1 {strides = array<i32>} : memref<64xi32, #tpu.memory_space<vmem>>, vector<16xi32>,
    %dma_wait3A_88 = arith.constant 0 : i32
    %dma_wait3A_89 = tpu.memref_slice %arg2[%add3A_63, %dma_wait3A_88] : memref<128x512xf32, #tpu.memory_space<hbm>> -> memref<1x512xf32, #tpu.memory_space<hbm>>
    %dma_wait3A_90 = tpu.memref_squeeze %dma_wait3A_89 : memref<1x512xf32, #tpu.memory_space<hbm>> -> memref<512xf32, #tpu.memory_space<hbm>>
    %dma_wait3A_91 = arith.constant 0 : i32
    %dma_wait3A_92 = tpu.memref_slice %arg2[%add3A_63, %dma_wait3A_91] : memref<128x512xf32, #tpu.memory_space<hbm>> -> memref<1x512xf32, #tpu.memory_space<hbm>>
    %dma_wait3A_93 = tpu.memref_squeeze %dma_wait3A_92 : memref<1x512xf32, #tpu.memory_space<hbm>> -> memref<512xf32, #tpu.memory_space<hbm>>
    tpu.wait_dma2 semaphore(%arg8 : memref<!tpu.dma_semaphore, #tpu.memory_space<semaphore_mem>>) src(%dma_wait3A_93 : memref<512xf32, #tpu.memory_space<hbm>>) dst(%arg5 : memref<512xf32, #tpu.memory_space<vmem>>)
    %broadcast_in_dim3A_94 = arith.constant 0xFF800000 : f32
    %broadcast_in_dim3A_95 = vector.broadcast %broadcast_in_dim3A_94 : f32 to vector<16xf32>
    %broadcast_in_dim3A_96 = arith.constant 0 : i32
    %broadcast_in_dim3A_97 = vector.broadcast %broadcast_in_dim3A_96 : i32 to vector<16xi32>
    %scan3A_98 = arith.constant 0 : i32
    %scan3A_99 = arith.constant 32 : i32
    %scan3A_100 = arith.addi %scan3A_98, %scan3A_99 : i32
    %scan3A_101 = arith.constant 1 : i32
    %scan3A_102:2 = scf.for %scan3A_108 = %scan3A_98 to %scan3A_100 step %scan3A_101 iter_args(%scan3A_109 = %broadcast_in_dim3A_95, %scan3A_110 = %broadcast_in_dim3A_97) -> (vector<16xf32>, vector<16xi32>)  : i32 {
      %mul3A_111 = arith.constant 16 : i32
      %mul3A_112 = arith.muli %scan3A_108, %mul3A_111 : i32
      %get3A = arith.index_cast %mul3A_112 : i32 to index
      %get3A_113 = tpu.vector_load %arg5[%get3A] {strides = array<i32>} : memref<512xf32, #tpu.memory_space<vmem>>, vector<16xf32>,
      %mul3A_114 = arith.constant 16 : i32
      %mul3A_115 = arith.muli %scan3A_108, %mul3A_114 : i32
      %add3A_116 = vector.broadcast %mul3A_115 : i32 to vector<16xi32>
      %add3A_117 = arith.addi %add3A_116, %iota3A : vector<16xi32>
      %masked_sort3A = arith.constant dense<true> : vector<16xi1>
      %masked_sort3A_118, %masked_sort3A_119, %masked_sort3A_120 = tpu.sort %get3A_113, %add3A_117 masked %masked_sort3A : (vector<16xf32>, vector<16xi32>, vector<16xi1>) -> (vector<16xi1>, vector<16xf32>, vector<16xi32>)
      %ge3A = arith.cmpf oge, %scan3A_109, %masked_sort3A_119 : vector<16xf32>
      %select_n3A = arith.select %ge3A, %scan3A_109, %masked_sort3A_119 : vector<16xi1>, vector<16xf32>
      %select_n3A_121 = arith.select %ge3A, %scan3A_110, %masked_sort3A_120 : vector<16xi1>, vector<16xi32>
      %masked_sort3A_122 = arith.constant dense<true> : vector<16xi1>
      %masked_sort3A_123, %masked_sort3A_124, %masked_sort3A_125 = tpu.sort %select_n3A, %select_n3A_121 masked %masked_sort3A_122 {descending = true} : (vector<16xf32>, vector<16xi32>, vector<16xi1>) -> (vector<16xi1>, vector<16xf32>, vector<16xi32>)
      scf.yield %masked_sort3A_124, %masked_sort3A_125 : vector<16xf32>, vector<16xi32>
    }
    %scan3A_103 = arith.constant 32 : i32
    %swap3A_104 = arith.constant 36 : index
    %swap3A_105 = tpu.vector_load %arg6[%swap3A_104] {strides = array<i32>} : memref<64xi32, #tpu.memory_space<vmem>>, vector<16xi32>,
    tpu.vector_store %arg6[%swap3A_104], %scan3A_102#1 {strides = array<i32>} : memref<64xi32, #tpu.memory_space<vmem>>, vector<16xi32>,
    %mul3A_106 = arith.constant 48 : i32
    %mul3A_107 = arith.muli %add3A, %mul3A_106 : i32
    "tpu.region"() ({
      %run_scoped3A = tpu.sem_alloc : memref<!tpu.dma_semaphore, #tpu.memory_space<semaphore_mem>>
      %dma_start3A_108 = arith.constant 0 : i32
      %dma_start3A_109 = tpu.memref_slice %arg6[%dma_start3A_108] : memref<64xi32, #tpu.memory_space<vmem>> -> memref<48xi32, #tpu.memory_space<vmem>>
      %dma_start3A_110 = tpu.memref_slice %arg3[%mul3A_107] : memref<1536xi32, #tpu.memory_space<hbm>> -> memref<48xi32, #tpu.memory_space<hbm>>
      %dma_start3A_111 = tpu.memref_slice %arg3[%mul3A_107] : memref<1536xi32, #tpu.memory_space<hbm>> -> memref<48xi32, #tpu.memory_space<hbm>>
      %dma_start3A_112 = arith.constant 0 : i32
      %dma_start3A_113 = tpu.memref_slice %arg6[%dma_start3A_112] : memref<64xi32, #tpu.memory_space<vmem>> -> memref<48xi32, #tpu.memory_space<vmem>>
      tpu.enqueue_dma source(%dma_start3A_113 : memref<48xi32, #tpu.memory_space<vmem>>) target(%dma_start3A_111 : memref<48xi32, #tpu.memory_space<hbm>>) target_semaphore(%run_scoped3A : memref<!tpu.dma_semaphore, #tpu.memory_space<semaphore_mem>>)
      %dma_wait3A_114 = arith.constant 0 : i32
      %dma_wait3A_115 = tpu.memref_slice %arg6[%dma_wait3A_114] : memref<64xi32, #tpu.memory_space<vmem>> -> memref<48xi32, #tpu.memory_space<vmem>>
      %dma_wait3A_116 = tpu.memref_slice %arg3[%mul3A_107] : memref<1536xi32, #tpu.memory_space<hbm>> -> memref<48xi32, #tpu.memory_space<hbm>>
      %dma_wait3A_117 = tpu.memref_slice %arg3[%mul3A_107] : memref<1536xi32, #tpu.memory_space<hbm>> -> memref<48xi32, #tpu.memory_space<hbm>>
      %dma_wait3A_118 = arith.constant 0 : i32
      %dma_wait3A_119 = tpu.memref_slice %arg6[%dma_wait3A_118] : memref<64xi32, #tpu.memory_space<vmem>> -> memref<48xi32, #tpu.memory_space<vmem>>
      tpu.wait_dma2 semaphore(%run_scoped3A : memref<!tpu.dma_semaphore, #tpu.memory_space<semaphore_mem>>) src(%dma_wait3A_119 : memref<48xi32, #tpu.memory_space<vmem>>) dst(%dma_wait3A_117 : memref<48xi32, #tpu.memory_space<hbm>>)
      tpu.yield
    }) : () -> ()
    return
  }
}

module attributes {stable_mosaic.version = 14 : i64} {
  func.func @_scores_body(%arg0: i32, %arg1: memref<8x512x256xf32, #tpu.memory_space<vmem>>, %arg2: memref<256x8xf32, #tpu.memory_space<vmem>>, %arg3: memref<8x512xf32, #tpu.memory_space<vmem>>) attributes {dimension_semantics = [#tpu.dimension_semantics<arbitrary>], iteration_bounds = array<i64: 16>, scalar_prefetch = 0 : i64, scratch_operands = 0 : i64, tpu.core_type = #tpu.core_type<tc>, window_params = [{transform_indices = @transform_0, window_bounds = array<i64: 8, 512, 256>}, {pipeline_mode = #tpu.pipeline_mode<synchronous>, transform_indices = @transform_1, window_bounds = array<i64: 256, 8>}, {transform_indices = @transform_2, window_bounds = array<i64: 8, 512>}]} {
    %get3A = arith.constant 0 : index
    %get3A_0 = arith.constant 0 : index
    %get3A_1 = arith.constant 0 : index
    %get3A_2 = vector.load %arg1[%get3A, %get3A_0, %get3A_1] : memref<8x512x256xf32, #tpu.memory_space<vmem>>, vector<8x512x256xf32>
    %reshape3A = vector.shape_cast %get3A_2 : vector<8x512x256xf32> to vector<4096x256xf32>
    %get3A_3 = arith.constant 0 : index
    %get3A_4 = arith.constant 0 : index
    %get3A_5 = vector.load %arg2[%get3A_3, %get3A_4] : memref<256x8xf32, #tpu.memory_space<vmem>>, vector<256x8xf32>
    %dot_general3A = arith.constant dense<0.000000e+00> : vector<8x4096xf32>
    %dot_general3A_6 = tpu.matmul %get3A_5, %reshape3A, %dot_general3A {dimension_numbers = #tpu.dot_dimension_numbers<[0], [1], [1], [0], [0, 1, 1, 0], [], []>, transpose_lhs_hint = false} : vector<256x8xf32>, vector<4096x256xf32>, vector<8x4096xf32> -> vector<8x4096xf32>
    %slice3A = vector.extract_strided_slice %dot_general3A_6 {offsets = [0, 0], sizes = [4, 512], strides = [1, 1]} : vector<8x4096xf32> to vector<4x512xf32>
    %slice3A_7 = vector.extract_strided_slice %dot_general3A_6 {offsets = [4, 0], sizes = [4, 512], strides = [1, 1]} : vector<8x4096xf32> to vector<4x512xf32>
    %dot_general3A_8 = arith.constant dense<0.000000e+00> : vector<512x512xf32>
    %dot_general3A_9 = tpu.matmul %slice3A, %slice3A_7, %dot_general3A_8 {dimension_numbers = #tpu.dot_dimension_numbers<[0], [0], [1], [1], [0, 1, 1, 1], [], []>, transpose_lhs_hint = false} : vector<4x512xf32>, vector<4x512xf32>, vector<512x512xf32> -> vector<512x512xf32>
    %reduce_max3A = arith.constant dense<0xFF800000> : vector<512xf32>
    %reduce_max3A_10 = vector.multi_reduction <maximumf>, %dot_general3A_9, %reduce_max3A [1] : vector<512x512xf32> to vector<512xf32>
    %broadcast_in_dim3A = vector.shape_cast %reduce_max3A_10 : vector<512xf32> to vector<512x1xf32>
    %sub3A = vector.broadcast %broadcast_in_dim3A : vector<512x1xf32> to vector<512x512xf32>
    %sub3A_11 = arith.subf %dot_general3A_9, %sub3A : vector<512x512xf32>
    %exp3A = math.exp %sub3A_11 : vector<512x512xf32>
    %reduce_sum3A = arith.constant dense<0.000000e+00> : vector<512xf32>
    %reduce_sum3A_12 = vector.multi_reduction <add>, %exp3A, %reduce_sum3A [1] : vector<512x512xf32> to vector<512xf32>
    %broadcast_in_dim3A_13 = vector.shape_cast %reduce_sum3A_12 : vector<512xf32> to vector<512x1xf32>
    %div3A = vector.broadcast %broadcast_in_dim3A_13 : vector<512x1xf32> to vector<512x512xf32>
    %div3A_14 = arith.divf %exp3A, %div3A : vector<512x512xf32>
    %reduce_sum3A_15 = arith.constant dense<0.000000e+00> : vector<512xf32>
    %reduce_sum3A_16 = vector.multi_reduction <add>, %div3A_14, %reduce_sum3A_15 [0] : vector<512x512xf32> to vector<512xf32>
    %swap3A = arith.constant 0 : index
    %swap3A_17 = arith.constant 0 : index
    %swap3A_18 = vector.load %arg3[%swap3A, %swap3A_17] : memref<8x512xf32, #tpu.memory_space<vmem>>, vector<1x512xf32>
    %swap3A_19 = vector.shape_cast %swap3A_18 : vector<1x512xf32> to vector<512xf32>
    %swap3A_20 = vector.shape_cast %reduce_sum3A_16 : vector<512xf32> to vector<1x512xf32>
    tpu.vector_store %arg3[%swap3A, %swap3A_17], %swap3A_20 {strides = array<i32>} : memref<8x512xf32, #tpu.memory_space<vmem>>, vector<1x512xf32>,
    %slice3A_21 = vector.extract_strided_slice %dot_general3A_6 {offsets = [0, 512], sizes = [4, 512], strides = [1, 1]} : vector<8x4096xf32> to vector<4x512xf32>
    %slice3A_22 = vector.extract_strided_slice %dot_general3A_6 {offsets = [4, 512], sizes = [4, 512], strides = [1, 1]} : vector<8x4096xf32> to vector<4x512xf32>
    %dot_general3A_23 = arith.constant dense<0.000000e+00> : vector<512x512xf32>
    %dot_general3A_24 = tpu.matmul %slice3A_21, %slice3A_22, %dot_general3A_23 {dimension_numbers = #tpu.dot_dimension_numbers<[0], [0], [1], [1], [0, 1, 1, 1], [], []>, transpose_lhs_hint = false} : vector<4x512xf32>, vector<4x512xf32>, vector<512x512xf32> -> vector<512x512xf32>
    %reduce_max3A_25 = arith.constant dense<0xFF800000> : vector<512xf32>
    %reduce_max3A_26 = vector.multi_reduction <maximumf>, %dot_general3A_24, %reduce_max3A_25 [1] : vector<512x512xf32> to vector<512xf32>
    %broadcast_in_dim3A_27 = vector.shape_cast %reduce_max3A_26 : vector<512xf32> to vector<512x1xf32>
    %sub3A_28 = vector.broadcast %broadcast_in_dim3A_27 : vector<512x1xf32> to vector<512x512xf32>
    %sub3A_29 = arith.subf %dot_general3A_24, %sub3A_28 : vector<512x512xf32>
    %exp3A_30 = math.exp %sub3A_29 : vector<512x512xf32>
    %reduce_sum3A_31 = arith.constant dense<0.000000e+00> : vector<512xf32>
    %reduce_sum3A_32 = vector.multi_reduction <add>, %exp3A_30, %reduce_sum3A_31 [1] : vector<512x512xf32> to vector<512xf32>
    %broadcast_in_dim3A_33 = vector.shape_cast %reduce_sum3A_32 : vector<512xf32> to vector<512x1xf32>
    %div3A_34 = vector.broadcast %broadcast_in_dim3A_33 : vector<512x1xf32> to vector<512x512xf32>
    %div3A_35 = arith.divf %exp3A_30, %div3A_34 : vector<512x512xf32>
    %reduce_sum3A_36 = arith.constant dense<0.000000e+00> : vector<512xf32>
    %reduce_sum3A_37 = vector.multi_reduction <add>, %div3A_35, %reduce_sum3A_36 [0] : vector<512x512xf32> to vector<512xf32>
    %swap3A_38 = arith.constant 1 : index
    %swap3A_39 = arith.constant 0 : index
    %swap3A_40 = vector.load %arg3[%swap3A_38, %swap3A_39] : memref<8x512xf32, #tpu.memory_space<vmem>>, vector<1x512xf32>
    %swap3A_41 = vector.shape_cast %swap3A_40 : vector<1x512xf32> to vector<512xf32>
    %swap3A_42 = vector.shape_cast %reduce_sum3A_37 : vector<512xf32> to vector<1x512xf32>
    tpu.vector_store %arg3[%swap3A_38, %swap3A_39], %swap3A_42 {strides = array<i32>} : memref<8x512xf32, #tpu.memory_space<vmem>>, vector<1x512xf32>,
    %slice3A_43 = vector.extract_strided_slice %dot_general3A_6 {offsets = [0, 1024], sizes = [4, 512], strides = [1, 1]} : vector<8x4096xf32> to vector<4x512xf32>
    %slice3A_44 = vector.extract_strided_slice %dot_general3A_6 {offsets = [4, 1024], sizes = [4, 512], strides = [1, 1]} : vector<8x4096xf32> to vector<4x512xf32>
    %dot_general3A_45 = arith.constant dense<0.000000e+00> : vector<512x512xf32>
    %dot_general3A_46 = tpu.matmul %slice3A_43, %slice3A_44, %dot_general3A_45 {dimension_numbers = #tpu.dot_dimension_numbers<[0], [0], [1], [1], [0, 1, 1, 1], [], []>, transpose_lhs_hint = false} : vector<4x512xf32>, vector<4x512xf32>, vector<512x512xf32> -> vector<512x512xf32>
    %reduce_max3A_47 = arith.constant dense<0xFF800000> : vector<512xf32>
    %reduce_max3A_48 = vector.multi_reduction <maximumf>, %dot_general3A_46, %reduce_max3A_47 [1] : vector<512x512xf32> to vector<512xf32>
    %broadcast_in_dim3A_49 = vector.shape_cast %reduce_max3A_48 : vector<512xf32> to vector<512x1xf32>
    %sub3A_50 = vector.broadcast %broadcast_in_dim3A_49 : vector<512x1xf32> to vector<512x512xf32>
    %sub3A_51 = arith.subf %dot_general3A_46, %sub3A_50 : vector<512x512xf32>
    %exp3A_52 = math.exp %sub3A_51 : vector<512x512xf32>
    %reduce_sum3A_53 = arith.constant dense<0.000000e+00> : vector<512xf32>
    %reduce_sum3A_54 = vector.multi_reduction <add>, %exp3A_52, %reduce_sum3A_53 [1] : vector<512x512xf32> to vector<512xf32>
    %broadcast_in_dim3A_55 = vector.shape_cast %reduce_sum3A_54 : vector<512xf32> to vector<512x1xf32>
    %div3A_56 = vector.broadcast %broadcast_in_dim3A_55 : vector<512x1xf32> to vector<512x512xf32>
    %div3A_57 = arith.divf %exp3A_52, %div3A_56 : vector<512x512xf32>
    %reduce_sum3A_58 = arith.constant dense<0.000000e+00> : vector<512xf32>
    %reduce_sum3A_59 = vector.multi_reduction <add>, %div3A_57, %reduce_sum3A_58 [0] : vector<512x512xf32> to vector<512xf32>
    %swap3A_60 = arith.constant 2 : index
    %swap3A_61 = arith.constant 0 : index
    %swap3A_62 = vector.load %arg3[%swap3A_60, %swap3A_61] : memref<8x512xf32, #tpu.memory_space<vmem>>, vector<1x512xf32>
    %swap3A_63 = vector.shape_cast %swap3A_62 : vector<1x512xf32> to vector<512xf32>
    %swap3A_64 = vector.shape_cast %reduce_sum3A_59 : vector<512xf32> to vector<1x512xf32>
    tpu.vector_store %arg3[%swap3A_60, %swap3A_61], %swap3A_64 {strides = array<i32>} : memref<8x512xf32, #tpu.memory_space<vmem>>, vector<1x512xf32>,
    %slice3A_65 = vector.extract_strided_slice %dot_general3A_6 {offsets = [0, 1536], sizes = [4, 512], strides = [1, 1]} : vector<8x4096xf32> to vector<4x512xf32>
    %slice3A_66 = vector.extract_strided_slice %dot_general3A_6 {offsets = [4, 1536], sizes = [4, 512], strides = [1, 1]} : vector<8x4096xf32> to vector<4x512xf32>
    %dot_general3A_67 = arith.constant dense<0.000000e+00> : vector<512x512xf32>
    %dot_general3A_68 = tpu.matmul %slice3A_65, %slice3A_66, %dot_general3A_67 {dimension_numbers = #tpu.dot_dimension_numbers<[0], [0], [1], [1], [0, 1, 1, 1], [], []>, transpose_lhs_hint = false} : vector<4x512xf32>, vector<4x512xf32>, vector<512x512xf32> -> vector<512x512xf32>
    %reduce_max3A_69 = arith.constant dense<0xFF800000> : vector<512xf32>
    %reduce_max3A_70 = vector.multi_reduction <maximumf>, %dot_general3A_68, %reduce_max3A_69 [1] : vector<512x512xf32> to vector<512xf32>
    %broadcast_in_dim3A_71 = vector.shape_cast %reduce_max3A_70 : vector<512xf32> to vector<512x1xf32>
    %sub3A_72 = vector.broadcast %broadcast_in_dim3A_71 : vector<512x1xf32> to vector<512x512xf32>
    %sub3A_73 = arith.subf %dot_general3A_68, %sub3A_72 : vector<512x512xf32>
    %exp3A_74 = math.exp %sub3A_73 : vector<512x512xf32>
    %reduce_sum3A_75 = arith.constant dense<0.000000e+00> : vector<512xf32>
    %reduce_sum3A_76 = vector.multi_reduction <add>, %exp3A_74, %reduce_sum3A_75 [1] : vector<512x512xf32> to vector<512xf32>
    %broadcast_in_dim3A_77 = vector.shape_cast %reduce_sum3A_76 : vector<512xf32> to vector<512x1xf32>
    %div3A_78 = vector.broadcast %broadcast_in_dim3A_77 : vector<512x1xf32> to vector<512x512xf32>
    %div3A_79 = arith.divf %exp3A_74, %div3A_78 : vector<512x512xf32>
    %reduce_sum3A_80 = arith.constant dense<0.000000e+00> : vector<512xf32>
    %reduce_sum3A_81 = vector.multi_reduction <add>, %div3A_79, %reduce_sum3A_80 [0] : vector<512x512xf32> to vector<512xf32>
    %swap3A_82 = arith.constant 3 : index
    %swap3A_83 = arith.constant 0 : index
    %swap3A_84 = vector.load %arg3[%swap3A_82, %swap3A_83] : memref<8x512xf32, #tpu.memory_space<vmem>>, vector<1x512xf32>
    %swap3A_85 = vector.shape_cast %swap3A_84 : vector<1x512xf32> to vector<512xf32>
    %swap3A_86 = vector.shape_cast %reduce_sum3A_81 : vector<512xf32> to vector<1x512xf32>
    tpu.vector_store %arg3[%swap3A_82, %swap3A_83], %swap3A_86 {strides = array<i32>} : memref<8x512xf32, #tpu.memory_space<vmem>>, vector<1x512xf32>,
    %slice3A_87 = vector.extract_strided_slice %dot_general3A_6 {offsets = [0, 2048], sizes = [4, 512], strides = [1, 1]} : vector<8x4096xf32> to vector<4x512xf32>
    %slice3A_88 = vector.extract_strided_slice %dot_general3A_6 {offsets = [4, 2048], sizes = [4, 512], strides = [1, 1]} : vector<8x4096xf32> to vector<4x512xf32>
    %dot_general3A_89 = arith.constant dense<0.000000e+00> : vector<512x512xf32>
    %dot_general3A_90 = tpu.matmul %slice3A_87, %slice3A_88, %dot_general3A_89 {dimension_numbers = #tpu.dot_dimension_numbers<[0], [0], [1], [1], [0, 1, 1, 1], [], []>, transpose_lhs_hint = false} : vector<4x512xf32>, vector<4x512xf32>, vector<512x512xf32> -> vector<512x512xf32>
    %reduce_max3A_91 = arith.constant dense<0xFF800000> : vector<512xf32>
    %reduce_max3A_92 = vector.multi_reduction <maximumf>, %dot_general3A_90, %reduce_max3A_91 [1] : vector<512x512xf32> to vector<512xf32>
    %broadcast_in_dim3A_93 = vector.shape_cast %reduce_max3A_92 : vector<512xf32> to vector<512x1xf32>
    %sub3A_94 = vector.broadcast %broadcast_in_dim3A_93 : vector<512x1xf32> to vector<512x512xf32>
    %sub3A_95 = arith.subf %dot_general3A_90, %sub3A_94 : vector<512x512xf32>
    %exp3A_96 = math.exp %sub3A_95 : vector<512x512xf32>
    %reduce_sum3A_97 = arith.constant dense<0.000000e+00> : vector<512xf32>
    %reduce_sum3A_98 = vector.multi_reduction <add>, %exp3A_96, %reduce_sum3A_97 [1] : vector<512x512xf32> to vector<512xf32>
    %broadcast_in_dim3A_99 = vector.shape_cast %reduce_sum3A_98 : vector<512xf32> to vector<512x1xf32>
    %div3A_100 = vector.broadcast %broadcast_in_dim3A_99 : vector<512x1xf32> to vector<512x512xf32>
    %div3A_101 = arith.divf %exp3A_96, %div3A_100 : vector<512x512xf32>
    %reduce_sum3A_102 = arith.constant dense<0.000000e+00> : vector<512xf32>
    %reduce_sum3A_103 = vector.multi_reduction <add>, %div3A_101, %reduce_sum3A_102 [0] : vector<512x512xf32> to vector<512xf32>
    %swap3A_104 = arith.constant 4 : index
    %swap3A_105 = arith.constant 0 : index
    %swap3A_106 = vector.load %arg3[%swap3A_104, %swap3A_105] : memref<8x512xf32, #tpu.memory_space<vmem>>, vector<1x512xf32>
    %swap3A_107 = vector.shape_cast %swap3A_106 : vector<1x512xf32> to vector<512xf32>
    %swap3A_108 = vector.shape_cast %reduce_sum3A_103 : vector<512xf32> to vector<1x512xf32>
    tpu.vector_store %arg3[%swap3A_104, %swap3A_105], %swap3A_108 {strides = array<i32>} : memref<8x512xf32, #tpu.memory_space<vmem>>, vector<1x512xf32>,
    %slice3A_109 = vector.extract_strided_slice %dot_general3A_6 {offsets = [0, 2560], sizes = [4, 512], strides = [1, 1]} : vector<8x4096xf32> to vector<4x512xf32>
    %slice3A_110 = vector.extract_strided_slice %dot_general3A_6 {offsets = [4, 2560], sizes = [4, 512], strides = [1, 1]} : vector<8x4096xf32> to vector<4x512xf32>
    %dot_general3A_111 = arith.constant dense<0.000000e+00> : vector<512x512xf32>
    %dot_general3A_112 = tpu.matmul %slice3A_109, %slice3A_110, %dot_general3A_111 {dimension_numbers = #tpu.dot_dimension_numbers<[0], [0], [1], [1], [0, 1, 1, 1], [], []>, transpose_lhs_hint = false} : vector<4x512xf32>, vector<4x512xf32>, vector<512x512xf32> -> vector<512x512xf32>
    %reduce_max3A_113 = arith.constant dense<0xFF800000> : vector<512xf32>
    %reduce_max3A_114 = vector.multi_reduction <maximumf>, %dot_general3A_112, %reduce_max3A_113 [1] : vector<512x512xf32> to vector<512xf32>
    %broadcast_in_dim3A_115 = vector.shape_cast %reduce_max3A_114 : vector<512xf32> to vector<512x1xf32>
    %sub3A_116 = vector.broadcast %broadcast_in_dim3A_115 : vector<512x1xf32> to vector<512x512xf32>
    %sub3A_117 = arith.subf %dot_general3A_112, %sub3A_116 : vector<512x512xf32>
    %exp3A_118 = math.exp %sub3A_117 : vector<512x512xf32>
    %reduce_sum3A_119 = arith.constant dense<0.000000e+00> : vector<512xf32>
    %reduce_sum3A_120 = vector.multi_reduction <add>, %exp3A_118, %reduce_sum3A_119 [1] : vector<512x512xf32> to vector<512xf32>
    %broadcast_in_dim3A_121 = vector.shape_cast %reduce_sum3A_120 : vector<512xf32> to vector<512x1xf32>
    %div3A_122 = vector.broadcast %broadcast_in_dim3A_121 : vector<512x1xf32> to vector<512x512xf32>
    %div3A_123 = arith.divf %exp3A_118, %div3A_122 : vector<512x512xf32>
    %reduce_sum3A_124 = arith.constant dense<0.000000e+00> : vector<512xf32>
    %reduce_sum3A_125 = vector.multi_reduction <add>, %div3A_123, %reduce_sum3A_124 [0] : vector<512x512xf32> to vector<512xf32>
    %swap3A_126 = arith.constant 5 : index
    %swap3A_127 = arith.constant 0 : index
    %swap3A_128 = vector.load %arg3[%swap3A_126, %swap3A_127] : memref<8x512xf32, #tpu.memory_space<vmem>>, vector<1x512xf32>
    %swap3A_129 = vector.shape_cast %swap3A_128 : vector<1x512xf32> to vector<512xf32>
    %swap3A_130 = vector.shape_cast %reduce_sum3A_125 : vector<512xf32> to vector<1x512xf32>
    tpu.vector_store %arg3[%swap3A_126, %swap3A_127], %swap3A_130 {strides = array<i32>} : memref<8x512xf32, #tpu.memory_space<vmem>>, vector<1x512xf32>,
    %slice3A_131 = vector.extract_strided_slice %dot_general3A_6 {offsets = [0, 3072], sizes = [4, 512], strides = [1, 1]} : vector<8x4096xf32> to vector<4x512xf32>
    %slice3A_132 = vector.extract_strided_slice %dot_general3A_6 {offsets = [4, 3072], sizes = [4, 512], strides = [1, 1]} : vector<8x4096xf32> to vector<4x512xf32>
    %dot_general3A_133 = arith.constant dense<0.000000e+00> : vector<512x512xf32>
    %dot_general3A_134 = tpu.matmul %slice3A_131, %slice3A_132, %dot_general3A_133 {dimension_numbers = #tpu.dot_dimension_numbers<[0], [0], [1], [1], [0, 1, 1, 1], [], []>, transpose_lhs_hint = false} : vector<4x512xf32>, vector<4x512xf32>, vector<512x512xf32> -> vector<512x512xf32>
    %reduce_max3A_135 = arith.constant dense<0xFF800000> : vector<512xf32>
    %reduce_max3A_136 = vector.multi_reduction <maximumf>, %dot_general3A_134, %reduce_max3A_135 [1] : vector<512x512xf32> to vector<512xf32>
    %broadcast_in_dim3A_137 = vector.shape_cast %reduce_max3A_136 : vector<512xf32> to vector<512x1xf32>
    %sub3A_138 = vector.broadcast %broadcast_in_dim3A_137 : vector<512x1xf32> to vector<512x512xf32>
    %sub3A_139 = arith.subf %dot_general3A_134, %sub3A_138 : vector<512x512xf32>
    %exp3A_140 = math.exp %sub3A_139 : vector<512x512xf32>
    %reduce_sum3A_141 = arith.constant dense<0.000000e+00> : vector<512xf32>
    %reduce_sum3A_142 = vector.multi_reduction <add>, %exp3A_140, %reduce_sum3A_141 [1] : vector<512x512xf32> to vector<512xf32>
    %broadcast_in_dim3A_143 = vector.shape_cast %reduce_sum3A_142 : vector<512xf32> to vector<512x1xf32>
    %div3A_144 = vector.broadcast %broadcast_in_dim3A_143 : vector<512x1xf32> to vector<512x512xf32>
    %div3A_145 = arith.divf %exp3A_140, %div3A_144 : vector<512x512xf32>
    %reduce_sum3A_146 = arith.constant dense<0.000000e+00> : vector<512xf32>
    %reduce_sum3A_147 = vector.multi_reduction <add>, %div3A_145, %reduce_sum3A_146 [0] : vector<512x512xf32> to vector<512xf32>
    %swap3A_148 = arith.constant 6 : index
    %swap3A_149 = arith.constant 0 : index
    %swap3A_150 = vector.load %arg3[%swap3A_148, %swap3A_149] : memref<8x512xf32, #tpu.memory_space<vmem>>, vector<1x512xf32>
    %swap3A_151 = vector.shape_cast %swap3A_150 : vector<1x512xf32> to vector<512xf32>
    %swap3A_152 = vector.shape_cast %reduce_sum3A_147 : vector<512xf32> to vector<1x512xf32>
    tpu.vector_store %arg3[%swap3A_148, %swap3A_149], %swap3A_152 {strides = array<i32>} : memref<8x512xf32, #tpu.memory_space<vmem>>, vector<1x512xf32>,
    %slice3A_153 = vector.extract_strided_slice %dot_general3A_6 {offsets = [0, 3584], sizes = [4, 512], strides = [1, 1]} : vector<8x4096xf32> to vector<4x512xf32>
    %slice3A_154 = vector.extract_strided_slice %dot_general3A_6 {offsets = [4, 3584], sizes = [4, 512], strides = [1, 1]} : vector<8x4096xf32> to vector<4x512xf32>
    %dot_general3A_155 = arith.constant dense<0.000000e+00> : vector<512x512xf32>
    %dot_general3A_156 = tpu.matmul %slice3A_153, %slice3A_154, %dot_general3A_155 {dimension_numbers = #tpu.dot_dimension_numbers<[0], [0], [1], [1], [0, 1, 1, 1], [], []>, transpose_lhs_hint = false} : vector<4x512xf32>, vector<4x512xf32>, vector<512x512xf32> -> vector<512x512xf32>
    %reduce_max3A_157 = arith.constant dense<0xFF800000> : vector<512xf32>
    %reduce_max3A_158 = vector.multi_reduction <maximumf>, %dot_general3A_156, %reduce_max3A_157 [1] : vector<512x512xf32> to vector<512xf32>
    %broadcast_in_dim3A_159 = vector.shape_cast %reduce_max3A_158 : vector<512xf32> to vector<512x1xf32>
    %sub3A_160 = vector.broadcast %broadcast_in_dim3A_159 : vector<512x1xf32> to vector<512x512xf32>
    %sub3A_161 = arith.subf %dot_general3A_156, %sub3A_160 : vector<512x512xf32>
    %exp3A_162 = math.exp %sub3A_161 : vector<512x512xf32>
    %reduce_sum3A_163 = arith.constant dense<0.000000e+00> : vector<512xf32>
    %reduce_sum3A_164 = vector.multi_reduction <add>, %exp3A_162, %reduce_sum3A_163 [1] : vector<512x512xf32> to vector<512xf32>
    %broadcast_in_dim3A_165 = vector.shape_cast %reduce_sum3A_164 : vector<512xf32> to vector<512x1xf32>
    %div3A_166 = vector.broadcast %broadcast_in_dim3A_165 : vector<512x1xf32> to vector<512x512xf32>
    %div3A_167 = arith.divf %exp3A_162, %div3A_166 : vector<512x512xf32>
    %reduce_sum3A_168 = arith.constant dense<0.000000e+00> : vector<512xf32>
    %reduce_sum3A_169 = vector.multi_reduction <add>, %div3A_167, %reduce_sum3A_168 [0] : vector<512x512xf32> to vector<512xf32>
    %swap3A_170 = arith.constant 7 : index
    %swap3A_171 = arith.constant 0 : index
    %swap3A_172 = vector.load %arg3[%swap3A_170, %swap3A_171] : memref<8x512xf32, #tpu.memory_space<vmem>>, vector<1x512xf32>
    %swap3A_173 = vector.shape_cast %swap3A_172 : vector<1x512xf32> to vector<512xf32>
    %swap3A_174 = vector.shape_cast %reduce_sum3A_169 : vector<512xf32> to vector<1x512xf32>
    tpu.vector_store %arg3[%swap3A_170, %swap3A_171], %swap3A_174 {strides = array<i32>} : memref<8x512xf32, #tpu.memory_space<vmem>>, vector<1x512xf32>,
    return
  }
  func.func @transform_0(%arg0: i32) -> (i32, i32, i32) {
    %c0_i32 = arith.constant 0 : i32
    %c0_i32_0 = arith.constant 0 : i32
    %c0_i32_1 = arith.constant 0 : i32
    return %arg0, %c0_i32, %c0_i32_0 : i32, i32, i32
  }
  func.func @transform_1(%arg0: i32) -> (i32, i32) {
    %c0_i32 = arith.constant 0 : i32
    %c0_i32_0 = arith.constant 0 : i32
    %c0_i32_1 = arith.constant 0 : i32
    return %c0_i32, %c0_i32_0 : i32, i32
  }
  func.func @transform_2(%arg0: i32) -> (i32, i32) {
    %c0_i32 = arith.constant 0 : i32
    %c0_i32_0 = arith.constant 0 : i32
    return %arg0, %c0_i32 : i32, i32
  }
}

</mosaic_0001>

<sc_bundles>
// kernel: kernel.4.cloned.1.call-start
scs
__scs_entry_jumppad:
0x0: {  	(pc) =	sbr.rel $0x88, $3  }
0x1: {  	(tag) =	ssettag $0x0;
	lr =	simm.s32 $0x1  }
0x2: {  	[smem:$0x3F9F] =	sst lr;
	_ =	strace $0xD0000000  }
0x3: {  	_ = 	snop  }
0x4: {  	_ = 	snop  }
0x5: {  	_ = 	snop  }
0x6: {  	_ = 	snop  }
0x7: {  	_ = 	snop  }
__scs_overlays_trampoline_lowered:
0x8: {  	[smem:$0x3FAE] =	sst s0  }
0x9: {  	[smem:$0x3FAF] =	sst s1  }
0xa: {  	[smem:$0x3FB0] =	sst s2  }
0xb: {  	[smem:$0x3FB1] =	sst s3  }
0xc: {  	[smem:$0x3FB2] =	sst s4  }
0xd: {  	[smem:$0x3FB3] =	sst s5  }
0xe: {  	[smem:$0x3FB4] =	sst s6  }
0xf: {  	[smem:$0x3FB5] =	sst s7  }
0x10: {  	[smem:$0x3FB6] =	sst s8  }
0x11: {  	[smem:$0x3FB7] =	sst s9;
	s0 =	simm.s32 @!p0 $0x0  }
0x12: {  	s1 =	sld [smem:$0x3F9D];
	s0 =	simm.s32 @p0 $0x1  }
0x13: {  	[smem:$0x3FB8] =	sst s0;
	s0 =	simm.s32 @!p1 $0x0  }
0x14: {  	s2 =	sld [smem:$0x3F9C];
	s0 =	simm.s32 @p1 $0x1  }
0x15: {  	[smem:$0x3FB9] =	sst s0;
	s0 =	simm.s32 @!p2 $0x0  }
0x16: {  	s3 =	sld [smem:$0x3FDB];
	s0 =	simm.s32 @p2 $0x1  }
0x17: {  	s4 =	simm.s32 $0x1BF5;
	[smem:$0x3FBB] =	sst s0  }
0x18: {  	s0 =	sld [smem:$0x3F9E];
	_ =	swait.ge [sflag:s4], $0x0  }
0x19: {  	s7 =	sld [smem:$0x3F9F]  }
0x1a: {  	s8 =	sadd.s32 $0xFFFFE003, lr  }
0x1b: {  	s9 =	sadd.s32 $0xFFFFFEF7, lr;
	s5 =	simm.s32 $0xFFFFFFFF;
	p2 =	slt.u32 s8, $0xFFFFF086  }
0x1c: {  	p1 =	slt.u32 s9, $0xF7A;
	s5 =	simm.s32 @!p2 $0x0  }
0x1d: {  	s5 =	simm.s32 @p1 $0x1;
	p0 =	seq.s32 s7, s2  }
0x1e: {  	s7 =	smul.u32 @!p0 $0xF7A, s2;
	p2 =	seq.s32 @!p0 s5, $0x0  }
0x1f: {  	s9 =	smul.u32 $0xF7A, s1;
	s8 =	simm.s32 @!p0 $0x1BF5;
	p2 =	por !p2, p0  }
0x20: {  	[sflag:s8] =	ssyncset.s32 @!p0 $0xFFFFF086;
	s6 =	sadd.s32 @!p0 s3, s7;
	s7 =	simm.s32 @!p0 $0x108  }
0x21: {  	s3 =	sadd.s32 s3, s9;
	s6 =	sadd.s32 @!p0 $0x88, s6;
	s7 =	simm.s32 @p2 $0x1082  }
0x22: {  	[simem:s7], [sflag:s8] =	dma.local @!p0 [hbm:s6], $0xF7A  }
0x23: {  	s9 =	sor.u32 $0xD0000000, s2;
	s6 =	simm.s32 $0x108;
	_ =	swait.ge @!p0 [sflag:s8], $0x0  }
0x24: {  	s3 =	sadd.s32 $0x88, s3;
	s6 =	simm.s32 @!p1 $0x1082;
	[sflag:s4] =	ssyncset.s32 $0xFFFFF086  }
0x25: {  	[simem:s6], [sflag:s4] =	dma.local [hbm:s3], $0xF7A  }
0x26: {  	[smem:$0x3F9F] =	sst s1;
	(tag) =	ssettag s2;
	_ =	strace s9  }
0x27: {  	s1 =	sld [smem:$0x3FAF]  }
0x28: {  	s2 =	sld [smem:$0x3FB0]  }
0x29: {  	s4 =	sld [smem:$0x3FB2]  }
0x2a: {  	p0 =	seq.s32 s5, $0x0;
	s5 =	sld [smem:$0x3FB3]  }
0x2b: {  	s6 =	sld [smem:$0x3FB4]  }
0x2c: {  	s7 =	sld [smem:$0x3FB5]  }
0x2d: {  	s3 =	simm.s32 $0x108;
	s8 =	sld [smem:$0x3FB6]  }
0x2e: {  	s3 =	simm.s32 @!p0 $0x1082;
	s9 =	sld [smem:$0x3FB7]  }
0x2f: {  	lr =	sadd.s32 s0, s3;
	s0 =	sld [smem:$0x3FAE]  }
0x30: {  	s3 =	sld [smem:$0x3FB1]  }
0x31: {  	[smem:$0x3FBA] =	sst s10  }
0x32: {  	s10 =	sld [smem:$0x3FB8];
	_ =	sdelay $0x3  }
0x33: {  	p0 =	seq.s32 s10, $0x1;
	s10 =	sld [smem:$0x3FBA];
	_ =	sdelay $0x3  }
0x34: {  	[smem:$0x3FBA] =	sst s10  }
0x35: {  	s10 =	sld [smem:$0x3FB9];
	_ =	sdelay $0x3  }
0x36: {  	p1 =	seq.s32 s10, $0x1;
	s10 =	sld [smem:$0x3FBA];
	_ =	sdelay $0x3  }
0x37: {  	[smem:$0x3FBA] =	sst s10  }
0x38: {  	s10 =	sld [smem:$0x3FBB]  }
0x39: {  	_ = 	snop;
	(pc) =	sbr.ind lr, $3  }
0x3a: {  	_ = 	snop  }
0x3b: {  	_ = 	snop  }
0x3c: {  	p2 =	seq.s32 s10, $0x1;
	s10 =	sld [smem:$0x3FBA]  }
0x3d: {  	_ =	shalt  }
0x3e: {  	_ =	shalt  }
0x3f: {  	_ =	shalt  }
0x40: {  	_ =	shalt  }
0x41: {  	_ =	shalt  }
0x42: {  	_ =	shalt  }
0x43: {  	_ =	shalt  }
0x44: {  	_ =	shalt  }
0x45: {  	_ =	shalt  }
0x46: {  	_ =	shalt  }
0x47: {  	_ =	shalt  }
0x48: {  	_ =	shalt  }
0x49: {  	_ =	shalt  }
0x4a: {  	_ =	shalt  }
0x4b: {  	_ =	shalt  }
0x4c: {  	_ =	shalt  }
0x4d: {  	_ =	shalt  }
0x4e: {  	_ =	shalt  }
0x4f: {  	_ =	shalt  }
0x50: {  	_ =	shalt  }
0x51: {  	_ =	shalt  }
0x52: {  	_ =	shalt  }
0x53: {  	_ =	shalt  }
0x54: {  	_ =	shalt  }
0x55: {  	_ =	shalt  }
0x56: {  	_ =	shalt  }
0x57: {  	_ =	shalt  }
0x58: {  	_ =	shalt  }
0x59: {  	_ =	shalt  }
0x5a: {  	_ =	shalt  }
0x5b: {  	_ =	shalt  }
0x5c: {  	_ =	shalt  }
0x5d: {  	_ =	shalt  }
0x5e: {  	_ =	shalt  }
0x5f: {  	_ =	shalt  }
0x60: {  	_ =	shalt  }
0x61: {  	_ =	shalt  }
0x62: {  	_ =	shalt  }
0x63: {  	_ =	shalt  }
0x64: {  	_ =	shalt  }
0x65: {  	_ =	shalt  }
0x66: {  	_ =	shalt  }
0x67: {  	_ =	shalt  }
0x68: {  	_ =	shalt  }
0x69: {  	_ =	shalt  }
0x6a: {  	_ =	shalt  }
0x6b: {  	_ =	shalt  }
0x6c: {  	_ =	shalt  }
0x6d: {  	_ =	shalt  }
0x6e: {  	_ =	shalt  }
0x6f: {  	_ =	shalt  }
0x70: {  	_ =	shalt  }
0x71: {  	_ =	shalt  }
0x72: {  	_ =	shalt  }
0x73: {  	_ =	shalt  }
0x74: {  	_ =	shalt  }
0x75: {  	_ =	shalt  }
0x76: {  	_ =	shalt  }
0x77: {  	_ =	shalt  }
0x78: {  	_ =	shalt  }
0x79: {  	_ =	shalt  }
0x7a: {  	_ =	shalt  }
0x7b: {  	_ =	shalt  }
0x7c: {  	_ =	shalt  }
0x7d: {  	_ =	shalt  }
0x7e: {  	_ =	shalt  }
0x7f: {  	_ =	shalt  }
0x80: {  	_ =	shalt  }
0x81: {  	_ =	shalt  }
0x82: {  	_ =	shalt  }
0x83: {  	_ =	shalt  }
0x84: {  	_ =	shalt  }
0x85: {  	_ =	shalt  }
0x86: {  	_ =	shalt  }
0x87: {  	_ =	shalt  }
.Lfunc_end0:
.L_simem_size_0:
called_computation_lowered:
.L_overlay_start_0:
0x88: {  	s2 =	sld [smem:$0x3FD9]  }
0x89: {  	s3 =	sld [smem:$0x3FFE];
	_ =	sdelay $0x1  }
0x8a: {  	s1 =	srdreg.scid  }
0x8b: {  	s0 =	sand.u32 $0x1, s1  }
0x8c: {  	s17 =	sshll.u32 s0, $0xA;
	s2 =	sadd.s32 s3, s2  }
0x8d: {  	s2 =	sadd.s32 s2, s17  }
0x8e: {  	[smem:$0x3FC6] =	sst s2  }
0x8f: {  	_ = 	snop  }
0x90: {  	s2 =	sld [smem:$0x3FD0];
	(tm) =	ssettm $0x1  }
0x91: {  	s18 =	sld [smem:$0x3FFB];
	_ =	sdelay $0x3  }
0x92: {  	_ =	strace s18  }
0x93: {  	s3 =	sld [smem:$0x3FFC];
	_ =	sdelay $0x3  }
0x94: {  	_ =	strace s3  }
0x95: {  	s3 =	sld [smem:$0x3FFD];
	_ =	sdelay $0x3  }
0x96: {  	_ =	strace s3  }
0x97: {  	_ =	strace $0x8FFFFFFF  }
0x98: {  	s19 =	sld [smem:$0x3FDB];
	_ =	sdelay $0x1  }
0x99: {  	s4 =	simm.s32 $_scs_section_size  }
0x9a: {  	s5 =	simm.s32 $_size__tile_overlayer_lowered;
	s6 =	simm.s32 $_tile_overlayer_lowered  }
0x9b: {  	s22 =	simm.s32 $0x1BFF;
	s21 =	sshll.u32 s6, $0x1;
	s3 =	sadd.s32 s4, s19  }
0x9c: {  	s7 =	simm.s32 $0x0;
	s20 =	sshll.u32 s5, $0x1;
	s5 =	sadd.s32 s21, s3  }
0x9d: {  	[timem:s7], [sflag:s22] =	dma.local [hbm:s5], s20  }
0x9e: {  	_ =	swait.ge [sflag:s22], s20  }
0x9f: {  	s4 =	ssub.s32 $0x0, s20;
	[sflag:s22] =	ssyncset.done $0x0  }
0xa0: {  	[sflag:s22] =	ssyncadd.s32 s4;
	_ =	sdelay $0x1  }
0xa1: {  	s23 =	simm.s32 $0x1B8B  }
0xa2: {  	_ =	swait.ge [sflag:s23], $0x1  }
0xa3: {  	[sflag:s23] =	ssyncset.done $0x0  }
0xa4: {  	s25 =	simm.s32 $0x1B8E;
	s24 =	sld [smem:$0x3FFE];
	[sflag:s23] =	ssyncadd.s32 $0xFFFFFFFF  }
0xa5: {  	s26 =	simm.s32 $execute0_lowered;
	[smem:$0x3FD2] =	sst s25  }
0xa6: {  	s5 =	sshll.u32 s26, $0x1;
	_ =	strace $0x80000046;
	[dreg:$0x1] =	wrdreg $0xFFFFFFFF  }
0xa7: {  	s28 =	simm.s32 $_size_execute0_lowered;
	s3 =	sadd.s32 s3, s5;
	[dreg:$0x0] =	wrdreg $0x0  }
0xa8: {  	s5 =	sshll.u32 s28, $0x1;
	[dreg:$0x2] =	wrdreg s3  }
0xa9: {  	[dreg:$0x3] =	wrdreg s5  }
0xaa: {  	[dreg:$0x4] =	wrdreg $0xC0  }
0xab: {  	_ =	task [dreg:s7], $0x5FFFF  }
0xac: {  	[dreg:$0x1] =	wrdreg $0xFFFFFFFF  }
0xad: {  	[dreg:$0x0] =	wrdreg $0x60  }
0xae: {  	[dreg:$0x2] =	wrdreg s24  }
0xaf: {  	[dreg:$0x3] =	wrdreg s2  }
0xb0: {  	[dreg:$0x4] =	wrdreg $0x9  }
0xb1: {  	_ =	task.clear_ibuf [dreg:s7], $0x5FFFF;
	_ =	strace $0x90000046  }
0xb2: {  	s29 =	simm.s32 $0x9;
	_ =	strace $0x80000048  }
0xb3: {  	_ =	swait.ge [sflag:s29], $0x1  }
0xb4: {  	[sflag:s29] =	ssyncadd.s32 $0xFFFFFFFF  }
0xb5: {  	_ =	strace $0x90000048  }
0xb6: {  	_ =	sfence  }
0xb7: {  	s30 =	sld [smem:$0x0];
	_ =	sdelay $0x2  }
0xb8: {  	s31 =	sshll.u32 s1, $0xD;
	s1 =	sshrl.u32 s1, $0x2  }
0xb9: {  	s3 =	sand.u32 $0x4000, s31;
	s1 =	sadd.s32 s1, s30  }
0xba: {  	s0 =	sor.u32 s3, s0;
	s1 =	sshll.u32 s1, $0x11  }
0xbb: {  	s0 =	sor.u32 s1, s0  }
0xbc: {  	s0 =	sadd.s32 $0x8F2B, s0  }
0xbd: {  	[sflag:s0] =	ssyncadd.remote.s32 $0x1  }
0xbe: {  	_ =	sfence.sel $0xFFFF  }
0xbf: {  	[dreg:$0x0] =	wrdreg $0xFFFFFFFF;
	(pc) =	sbr.abs _section_cstart, $3  }
0xc0: {  	[dreg:$0x1] =	wrdreg $0xFFFFFFFF  }
0xc1: {  	_ =	task.clear_ibuf [dreg:s7], $0x2FFFF;
	_ =	strace $0x9FFFFFFF  }
0xc2: {  	(tm) =	ssettm $0x7FFFFFFF  }
0xc3: {  	_ =	shalt  }
tec
execute0_lowered:
.L_overlay_start_1:
0x0: {  	(tag) =	ssettag $0x1  }
0x1: {  	s3 =	rddreg [dreg:$0x0]  }
0x2: {  	s7 =	rddreg [dreg:$0x1]  }
0x3: {  	s0 =	rddreg [dreg:$0x2];
	s2 =	simm.s32 $0x0;
	s4 =	srdreg.scid  }
0x4: {  	s1 =	stileid.u32;
	s11 =	simm.s32 $0x200;
	s12 =	simm.s32 $0x1  }
0x5: {  	s13 =	simm.s32 $0x2;
	s14 =	simm.s32 $0x3;
	s15 =	simm.s32 $0x0  }
0x6: {  	[smem:$0x7FF] =	sst s2;
	s4 =	sand.u32 $0x1, s4;
	s6 =	sshll.u32 s1, $0x9  }
0x7: {  	s8 =	sshll.u32 s1, $0x1;
	_ =	strace $0x80000047;
	s5 =	sshll.u32 s4, $0x6  }
0x8: {  	s29 =	ssub.s32 $0x2, s4;
	s4 =	sor.u32 s4, s8;
	s5 =	sor.u32 s5, s6  }
0x9: {  	s30 =	sshrl.u32 s29, $0x1;
	s10 =	smul.u32 $0x6, s4;
	s9 =	sadd.s32 s5, s3  }
0xa: {  	s31 =	ssub.s32 s29, s30;
	s3 =	sadd.s32 $0x600, s9;
	s4 =	sadd.s32 $0x610, s9  }
0xb: {  	s5 =	sadd.s32 $0x620, s9;
	s6 =	sadd.s32 $0x630, s9;
	s7 =	sadd.s32 s7, s10  }
0xc: {  	v0 =	vlaneseq.u32;
	s8 =	smax.u32 s31, $0x1;
	s9 =	simm.s32 $0x80;
	s10 =	simm.s32 $0x400  }
.LBB2_1:
0xd: {  	[tilespmem:s2], [sflag:$0x1] =	stream.strided.gather [hbm4b:s3+s9], $0x200, s10, s9, $0x38;
	[tilespmem:$0x480] =	vst v63  }
0xe: {  	_ = 	snop  }
0xf: {  	[tilespmem:s11], [sflag:$0x2] =	stream.strided.gather [hbm4b:s4+s9], $0x200, s10, s9, $0x38;
	[tilespmem:$0x480] =	vst v63  }
0x10: {  	_ =	swait.ge [sflag:s12], $0x200  }
0x11: {  	[sflag:s12] =	ssyncset.done $0x0  }
0x12: {  	[sflag:s12] =	ssyncadd.s32 $0xFFFFFE00  }
0x13: {  	v1 =	vld [tilespmem:s2+$0x0];
	_ =	sdelay $0x3  }
0x14: {  	v2 =	vor.u32 s2, v0  }
0x15: {  	(xrf1) =	vsort.ascd.msk.f32 $0xffff, v1, v2;
	_ =	sdelay $0x9  }
0x16: {  	s16 =	simm.s32 $0x10  }
0x17: {  	v1 =	vld [tilespmem:s16+$0x0];
	_ =	sdelay $0x2  }
0x18: {  	v2 =	vimm.f32 $-Inf;
	v3, v4, _ =	vpop (xrf1)  }
0x19: {  	v5 =	vimm.s32 $0x0;
	v6 =	vor.u32 s16, v0;
	vm0 =	vge.f32 v2, v3  }
0x1a: {  	(xrf1) =	vsort.ascd.msk.f32 $0xffff, v1, v6;
	v1 =	vsel vm0, v2, v3;
	v2 =	vsel vm0, v5, v4  }
0x1b: {  	(xrf1) =	vsort.dscd.msk.f32 $0xffff, v1, v2;
	_ =	sdelay $0x9  }
0x1c: {  	s16 =	simm.s32 $0x20  }
0x1d: {  	v1 =	vld [tilespmem:s16+$0x0]  }
0x1e: {  	s17 =	simm.s32 $0x30;
	s18 =	simm.s32 $0x20  }
.LBB2_2:
0x1f: {  	p0 =	sne.s32 s17, $0x1F0;
	v2, v3, _ =	vpop (xrf1)  }
0x20: {  	v4, v5, _ =	vpop (xrf1)  }
0x21: {  	v6 =	vor.u32 s16, v0;
	s16 =	smov.u32 s17;
	vm0 =	vge.f32 v4, v2  }
0x22: {  	(xrf1) =	vsort.ascd.msk.f32 $0xffff, v1, v6;
	v1 =	vsel vm0, v4, v2;
	v2 =	vsel vm0, v5, v3  }
0x23: {  	(xrf1) =	vsort.dscd.msk.f32 $0xffff, v1, v2;
	_ =	sdelay $0x7  }
.Ltmp0:
0x24: {  	(pc) =	sbr.rel @p0 .LBB2_2-.Ltmp0, $4  }
0x25: {  	_ = 	snop  }
0x26: {  	s18 =	sadd.s32 $0x10, s18  }
0x27: {  	v1 =	vld [tilespmem:s18+$0x0]  }
0x28: {  	s17 =	sadd.s32 $0x10, s17  }
0x29: {  	v2, v3, _ =	vpop (xrf1)  }
0x2a: {  	v4, v5, _ =	vpop (xrf1)  }
0x2b: {  	v6 =	vor.u32 s16, v0;
	vm0 =	vge.f32 v4, v2  }
0x2c: {  	(xrf1) =	vsort.ascd.msk.f32 $0xffff, v1, v6;
	v1 =	vsel vm0, v4, v2;
	v2 =	vsel vm0, v5, v3  }
0x2d: {  	(xrf1) =	vsort.dscd.msk.f32 $0xffff, v1, v2;
	_ =	sdelay $0xc  }
0x2e: {  	v1, v2, _ =	vpop (xrf1)  }
0x2f: {  	v3, v60, _ =	vpop (xrf1)  }
0x30: {  	vm14 =	vge.f32 v3, v1  }
0x31: {  	v1 =	vsel vm14, v3, v1;
	v2 =	vsel vm14, v60, v2  }
0x32: {  	(xrf1) =	vsort.dscd.msk.f32 $0xffff, v1, v2;
	_ =	sdelay $0xd  }
0x33: {  	v1, v2, _ =	vpop (xrf1)  }
0x34: {  	s29 =	simm.s32 $0x0;
	[tilespmem:$0x400] =	vst v2  }
0x35: {  	[tilespmem:s29], [sflag:$0x1] =	stream.strided.gather [hbm4b:s5+s9], $0x200, s10, s9, $0x38;
	[tilespmem:$0x480] =	vst v63  }
0x36: {  	_ =	swait.ge [sflag:s13], $0x200  }
0x37: {  	[sflag:s13] =	ssyncset.done $0x0  }
0x38: {  	s17 =	simm.s32 $0x200;
	[sflag:s13] =	ssyncadd.s32 $0xFFFFFE00  }
0x39: {  	v1 =	vld [tilespmem:s17+$0x0];
	_ =	sdelay $0x3  }
0x3a: {  	v2 =	vor.u32 s29, v0  }
0x3b: {  	(xrf1) =	vsort.ascd.msk.f32 $0xffff, v1, v2;
	_ =	sdelay $0x9  }
0x3c: {  	s30 =	simm.s32 $0x210  }
0x3d: {  	v1 =	vld [tilespmem:s30+$0x0];
	_ =	sdelay $0x2  }
0x3e: {  	s31 =	simm.s32 $0x10;
	v2 =	vimm.f32 $-Inf;
	v3, v61, _ =	vpop (xrf1)  }
0x3f: {  	v62 =	vimm.s32 $0x0;
	v63 =	vor.u32 s31, v0;
	vm15 =	vge.f32 v2, v3  }
0x40: {  	(xrf1) =	vsort.ascd.msk.f32 $0xffff, v1, v63;
	v1 =	vsel vm15, v2, v3;
	v2 =	vsel vm15, v62, v61  }
0x41: {  	(xrf1) =	vsort.dscd.msk.f32 $0xffff, v1, v2;
	_ =	sdelay $0x9  }
0x42: {  	s17 =	simm.s32 $0x220  }
0x43: {  	v1 =	vld [tilespmem:s17+$0x0]  }
0x44: {  	s16 =	simm.s32 $0x20;
	s18 =	simm.s32 $0x30  }
.LBB2_4:
0x45: {  	p0 =	sne.s32 s18, $0x1F0;
	v2, v3, _ =	vpop (xrf1)  }
0x46: {  	v4, v5, _ =	vpop (xrf1)  }
0x47: {  	v6 =	vor.u32 s16, v0;
	s16 =	smov.u32 s18;
	vm0 =	vge.f32 v4, v2  }
0x48: {  	(xrf1) =	vsort.ascd.msk.f32 $0xffff, v1, v6;
	v1 =	vsel vm0, v4, v2;
	v2 =	vsel vm0, v5, v3  }
0x49: {  	(xrf1) =	vsort.dscd.msk.f32 $0xffff, v1, v2;
	_ =	sdelay $0x7  }
.Ltmp1:
0x4a: {  	(pc) =	sbr.rel @p0 .LBB2_4-.Ltmp1, $4  }
0x4b: {  	_ = 	snop  }
0x4c: {  	s17 =	sadd.s32 $0x10, s17  }
0x4d: {  	v1 =	vld [tilespmem:s17+$0x0]  }
0x4e: {  	s18 =	sadd.s32 $0x10, s18  }
0x4f: {  	v2, v3, _ =	vpop (xrf1)  }
0x50: {  	v4, v5, _ =	vpop (xrf1)  }
0x51: {  	v6 =	vor.u32 s16, v0;
	vm0 =	vge.f32 v4, v2  }
0x52: {  	(xrf1) =	vsort.ascd.msk.f32 $0xffff, v1, v6;
	v1 =	vsel vm0, v4, v2;
	v2 =	vsel vm0, v5, v3  }
0x53: {  	(xrf1) =	vsort.dscd.msk.f32 $0xffff, v1, v2;
	_ =	sdelay $0xc  }
0x54: {  	v1, v2, _ =	vpop (xrf1)  }
0x55: {  	v3, v60, _ =	vpop (xrf1)  }
0x56: {  	vm14 =	vge.f32 v3, v1  }
0x57: {  	v1 =	vsel vm14, v3, v1;
	v2 =	vsel vm14, v60, v2  }
0x58: {  	(xrf1) =	vsort.dscd.msk.f32 $0xffff, v1, v2;
	_ =	sdelay $0xd  }
0x59: {  	v1, v2, _ =	vpop (xrf1)  }
0x5a: {  	[tilespmem:$0x40C] =	vst v2  }
0x5b: {  	[tilespmem:s11], [sflag:$0x2] =	stream.strided.gather [hbm4b:s6+s9], $0x200, s10, s9, $0x38;
	[tilespmem:$0x480] =	vst v63  }
0x5c: {  	_ =	swait.ge [sflag:s12], $0x200  }
0x5d: {  	[sflag:s12] =	ssyncset.done $0x0  }
0x5e: {  	s30 =	simm.s32 $0x0;
	[sflag:s12] =	ssyncadd.s32 $0xFFFFFE00  }
0x5f: {  	v1 =	vld [tilespmem:s30+$0x0];
	_ =	sdelay $0x3  }
0x60: {  	v2 =	vor.u32 s30, v0  }
0x61: {  	(xrf1) =	vsort.ascd.msk.f32 $0xffff, v1, v2;
	_ =	sdelay $0x9  }
0x62: {  	s31 =	simm.s32 $0x10  }
0x63: {  	v1 =	vld [tilespmem:s31+$0x0];
	_ =	sdelay $0x2  }
0x64: {  	v2 =	vimm.f32 $-Inf;
	v3, v61, _ =	vpop (xrf1)  }
0x65: {  	v62 =	vimm.s32 $0x0;
	v63 =	vor.u32 s31, v0;
	vm15 =	vge.f32 v2, v3  }
0x66: {  	(xrf1) =	vsort.ascd.msk.f32 $0xffff, v1, v63;
	v1 =	vsel vm15, v2, v3;
	v2 =	vsel vm15, v62, v61  }
0x67: {  	(xrf1) =	vsort.dscd.msk.f32 $0xffff, v1, v2;
	_ =	sdelay $0x9  }
0x68: {  	s16 =	simm.s32 $0x20  }
0x69: {  	v1 =	vld [tilespmem:s16+$0x0]  }
0x6a: {  	s17 =	simm.s32 $0x30;
	s18 =	simm.s32 $0x20  }
.LBB2_6:
0x6b: {  	p0 =	sne.s32 s17, $0x1F0;
	v2, v3, _ =	vpop (xrf1)  }
0x6c: {  	v4, v5, _ =	vpop (xrf1)  }
0x6d: {  	v6 =	vor.u32 s16, v0;
	s16 =	smov.u32 s17;
	vm0 =	vge.f32 v4, v2  }
0x6e: {  	(xrf1) =	vsort.ascd.msk.f32 $0xffff, v1, v6;
	v1 =	vsel vm0, v4, v2;
	v2 =	vsel vm0, v5, v3  }
0x6f: {  	(xrf1) =	vsort.dscd.msk.f32 $0xffff, v1, v2;
	_ =	sdelay $0x7  }
.Ltmp2:
0x70: {  	(pc) =	sbr.rel @p0 .LBB2_6-.Ltmp2, $4  }
0x71: {  	_ = 	snop  }
0x72: {  	s18 =	sadd.s32 $0x10, s18  }
0x73: {  	v1 =	vld [tilespmem:s18+$0x0]  }
0x74: {  	s17 =	sadd.s32 $0x10, s17  }
0x75: {  	v2, v3, _ =	vpop (xrf1)  }
0x76: {  	v4, v5, _ =	vpop (xrf1)  }
0x77: {  	v6 =	vor.u32 s16, v0;
	vm0 =	vge.f32 v4, v2  }
0x78: {  	(xrf1) =	vsort.ascd.msk.f32 $0xffff, v1, v6;
	v1 =	vsel vm0, v4, v2;
	v2 =	vsel vm0, v5, v3  }
0x79: {  	(xrf1) =	vsort.dscd.msk.f32 $0xffff, v1, v2;
	_ =	sdelay $0xc  }
0x7a: {  	v1, v2, _ =	vpop (xrf1)  }
0x7b: {  	v3, v60, _ =	vpop (xrf1)  }
0x7c: {  	vm14 =	vge.f32 v3, v1  }
0x7d: {  	v1 =	vsel vm14, v3, v1;
	v2 =	vsel vm14, v60, v2  }
0x7e: {  	(xrf1) =	vsort.dscd.msk.f32 $0xffff, v1, v2;
	_ =	sdelay $0xd  }
0x7f: {  	v1, v2, _ =	vpop (xrf1)  }
0x80: {  	[tilespmem:$0x418] =	vst v2  }
0x81: {  	_ =	swait.ge [sflag:s13], $0x200  }
0x82: {  	[sflag:s13] =	ssyncset.done $0x0  }
0x83: {  	s28 =	simm.s32 $0x200;
	[sflag:s13] =	ssyncadd.s32 $0xFFFFFE00  }
0x84: {  	v1 =	vld [tilespmem:s28+$0x0];
	_ =	sdelay $0x2  }
0x85: {  	s29 =	simm.s32 $0x0  }
0x86: {  	v2 =	vor.u32 s29, v0  }
0x87: {  	(xrf1) =	vsort.ascd.msk.f32 $0xffff, v1, v2;
	_ =	sdelay $0x9  }
0x88: {  	s30 =	simm.s32 $0x210  }
0x89: {  	v1 =	vld [tilespmem:s30+$0x0];
	_ =	sdelay $0x2  }
0x8a: {  	s31 =	simm.s32 $0x10;
	v2 =	vimm.f32 $-Inf;
	v3, v61, _ =	vpop (xrf1)  }
0x8b: {  	v62 =	vimm.s32 $0x0;
	v63 =	vor.u32 s31, v0;
	vm15 =	vge.f32 v2, v3  }
0x8c: {  	(xrf1) =	vsort.ascd.msk.f32 $0xffff, v1, v63;
	v1 =	vsel vm15, v2, v3;
	v2 =	vsel vm15, v62, v61  }
0x8d: {  	(xrf1) =	vsort.dscd.msk.f32 $0xffff, v1, v2;
	_ =	sdelay $0x9  }
0x8e: {  	s17 =	simm.s32 $0x220  }
0x8f: {  	v1 =	vld [tilespmem:s17+$0x0]  }
0x90: {  	s16 =	simm.s32 $0x20;
	s18 =	simm.s32 $0x30  }
.LBB2_8:
0x91: {  	p0 =	sne.s32 s18, $0x1F0;
	v2, v3, _ =	vpop (xrf1)  }
0x92: {  	v4, v5, _ =	vpop (xrf1)  }
0x93: {  	v6 =	vor.u32 s16, v0;
	s16 =	smov.u32 s18;
	vm0 =	vge.f32 v4, v2  }
0x94: {  	(xrf1) =	vsort.ascd.msk.f32 $0xffff, v1, v6;
	v1 =	vsel vm0, v4, v2;
	v2 =	vsel vm0, v5, v3  }
0x95: {  	(xrf1) =	vsort.dscd.msk.f32 $0xffff, v1, v2;
	_ =	sdelay $0x7  }
.Ltmp3:
0x96: {  	(pc) =	sbr.rel @p0 .LBB2_8-.Ltmp3, $4  }
0x97: {  	_ = 	snop  }
0x98: {  	s17 =	sadd.s32 $0x10, s17  }
0x99: {  	v1 =	vld [tilespmem:s17+$0x0]  }
0x9a: {  	s18 =	sadd.s32 $0x10, s18  }
0x9b: {  	v2, v3, _ =	vpop (xrf1)  }
0x9c: {  	v4, v5, _ =	vpop (xrf1)  }
0x9d: {  	v6 =	vor.u32 s16, v0;
	vm0 =	vge.f32 v4, v2  }
0x9e: {  	(xrf1) =	vsort.ascd.msk.f32 $0xffff, v1, v6;
	v1 =	vsel vm0, v4, v2;
	v2 =	vsel vm0, v5, v3  }
0x9f: {  	(xrf1) =	vsort.dscd.msk.f32 $0xffff, v1, v2;
	_ =	sdelay $0xc  }
0xa0: {  	v1, v2, _ =	vpop (xrf1)  }
0xa1: {  	v3, v63, _ =	vpop (xrf1)  }
0xa2: {  	vm15 =	vge.f32 v3, v1  }
0xa3: {  	v1 =	vsel vm15, v3, v1;
	v2 =	vsel vm15, v63, v2  }
0xa4: {  	(xrf1) =	vsort.dscd.msk.f32 $0xffff, v1, v2;
	_ =	sdelay $0xc  }
0xa5: {  	s15 =	sadd.s32 $0x1, s15  }
0xa6: {  	p0 =	sne.s32 s15, s8;
	v1, v2, _ =	vpop (xrf1)  }
.Ltmp4:
0xa7: {  	[tilespmem:$0x424] =	vst v2;
	(pc) =	sbr.rel @p0 .LBB2_1-.Ltmp4, $4  }
0xa8: {  	[hbm4b:s7+s2] =	stream.linear.scatter [tilespmem:s10], [sflag:$0x3], $0x30, $0x38;
	[tilespmem:$0x480] =	vst v63  }
0xa9: {  	_ =	swait.ge [sflag:s14], $0x30  }
0xaa: {  	[sflag:s14] =	ssyncset.done $0x0  }
0xab: {  	[sflag:s14] =	ssyncadd.s32 $0xFFFFFFD0  }
0xac: {  	_ =	sfence.sel $0x180000  }
0xad: {  	[bflag:$0x0] =	sbarrier.arrive $0xFFFF  }
0xae: {  	p0 =	sne.s32 s1, $0x0;
	_ =	strace $0x90000047  }
0xaf: {  	s0 =	sadd.s32 @!p0 $0x100000, s0;
	[bflag:$0x2] =	sbarrier.arrive $0xFFFF  }
0xb0: {  	[sflag:s0] =	ssyncadd.tile.s32 @!p0 $0x1;
	_ =	shalt  }
.Lfunc_end2:
_tile_overlayer_lowered:
.L_overlay_start_2:
0xb1: {  	(tag) =	ssettag $0x2  }
0xb2: {  	s0 =	rddreg [dreg:$0x0];
	s2 =	stileid.u32  }
0xb3: {  	s1 =	rddreg [dreg:$0x1];
	p0 =	sne.s32 s2, $0x0  }
0xb4: {  	s3 =	rddreg [dreg:$0x2];
	[bflag:$0x3] =	sbarrier.arrive $0xFFFF;
	s2 =	simm.s32 @!p0 $0x1C03  }
0xb5: {  	[timem:s3], [sflag:s2] =	dma.local @!p0 [hbm:s0], s1  }
0xb6: {  	s0 =	simm.s32 @!p0 $0x3  }
0xb7: {  	_ =	swait.ge @!p0 [sflag:s0], s1  }
0xb8: {  	s1 =	ssub.s32 @!p0 $0x0, s1;
	[sflag:s0] =	ssyncset.done @!p0 $0x0  }
0xb9: {  	[sflag:s0] =	ssyncadd.s32 @!p0 s1  }
0xba: {  	[bflag:$0x3] =	sbarrier.arrive $0xFFFF  }
0xbb: {  	_ =	shalt  }

</sc_bundles>
